<compile_context>
chip_gen: v7x
topology: tpu7x:2x2x1
jax: 0.10.2.dev20260603
libtpu: 0.0.44.dev20260713+nightly
codegen_flags: <defaults>
</compile_context>

<pallas_src>
import jax
import jax.numpy as jnp
from jax import lax
from jax.experimental import pallas as pl
from jax.experimental.pallas import tpu as pltpu
from jax.experimental.pallas import tpu_sc as plsc

B, L, V = 128, 2048, 33

_INFO = plsc.get_sparse_core_info()
NC = _INFO.num_cores
NS = _INFO.num_subcores
LANES = _INFO.num_lanes
NW_ACTIVE = B // LANES

_PLANE = B * L
_TB = 8 * L
_TL = 8 * 128
_SB = 128


MESH_CORES = 1


def _sc_body(flat_hbm, pos_hbm, mut_hbm, wt_hbm, out_hbm,
             pos_v, mut_v, wt_v, idx_v, gat_v, res_v, sem):
    wid = lax.axis_index("s") * MESH_CORES + lax.axis_index("c")

    @pl.when(wid < NW_ACTIVE)
    def _():
        base = wid * LANES
        cp_p = pltpu.async_copy(pos_hbm.at[pl.ds(base, LANES)], pos_v, sem)
        cp_m = pltpu.async_copy(mut_hbm.at[pl.ds(base, LANES)], mut_v, sem)
        cp_w = pltpu.async_copy(wt_hbm.at[pl.ds(base, LANES)], wt_v, sem)
        cp_p.wait()
        cp_m.wait()
        cp_w.wait()
        lane = lax.iota(jnp.int32, LANES)
        b = base + lane
        pos = pos_v[...]
        common = ((b >> 3) * _TB + (b & 7) * _SB
                  + (pos >> 7) * _TL + (pos & 127))
        idx_v[pl.ds(0, LANES)] = mut_v[...] * _PLANE + common
        idx_v[pl.ds(LANES, LANES)] = wt_v[...] * _PLANE + common
        pltpu.async_copy(flat_hbm.at[idx_v], gat_v, sem).wait()
        res_v[...] = gat_v[pl.ds(0, LANES)] / gat_v[pl.ds(LANES, LANES)]
        pltpu.sync_copy(res_v, out_hbm.at[pl.ds(base, LANES)])


def kernel(wt_logits, mutated_position_idx, mutant_token_idx, wt_token_idx):
    phys = (wt_logits.reshape(B // 8, 8, L // 128, 128, V)
            .transpose(4, 0, 2, 1, 3).reshape(-1))
    pos = mutated_position_idx.astype(jnp.int32)
    mut = mutant_token_idx.astype(jnp.int32)
    wt = wt_token_idx.astype(jnp.int32)
    mesh = plsc.VectorSubcoreMesh(
        core_axis_name="c", subcore_axis_name="s", num_cores=MESH_CORES)
    run = pl.kernel(
        _sc_body,
        out_type=jax.ShapeDtypeStruct((B,), jnp.float32),
        mesh=mesh,
        compiler_params=pltpu.CompilerParams(skip_device_barrier=True),
        scratch_types=[
            pltpu.VMEM((LANES,), jnp.int32),
            pltpu.VMEM((LANES,), jnp.int32),
            pltpu.VMEM((LANES,), jnp.int32),
            pltpu.VMEM((2 * LANES,), jnp.int32),
            pltpu.VMEM((2 * LANES,), jnp.float32),
            pltpu.VMEM((LANES,), jnp.float32),
            pltpu.SemaphoreType.DMA,
        ],
    )
    return run(phys, pos, mut, wt)

# --- scband reference (transcript-rebuilt; emitter-appended) ---
"""Pipeline reference for scband-likelihood-model-9560597201560 (READ-ONLY COPY).

The authoritative reference and input builder live on the scoring server;
editing this copy changes nothing except your own understanding.
"""

import jax, jax.numpy as jnp
import numpy as np

B, L, V = 128, 2048, 33

def setup_inputs(seed: int = 0) -> dict:
    key = jax.random.key(seed)
    k1, k2, k3, k4 = jax.random.split(key, 4)
    # Offset logits away from zero so the logit-ratio denominator is well conditioned.
    wt_logits = jax.random.normal(k1, (B, L, V), dtype=jnp.float32) + 3.0
    mutated_position_idx = jax.random.randint(k2, (B,), 0, L)
    mutant_token_idx = jax.random.randint(k3, (B,), 0, V)
    wt_token_idx = jax.random.randint(k4, (B,), 0, V)
    return {
        "wt_logits": wt_logits,
        "mutated_position_idx": mutated_position_idx,
        "mutant_token_idx": mutant_token_idx,
        "wt_token_idx": wt_token_idx,
    }

def reference(wt_logits, mutated_position_idx, mutant_token_idx, wt_token_idx):
    # Faithful translation of LikelihoodModel.forward: the string parsing of
    # data['mutant'] / data['mutant_sequence'] is precomputed into index tensors.
    batch_indices = jnp.arange(wt_logits.shape[0])
    mutant_logit = wt_logits[batch_indices, mutated_position_idx, mutant_token_idx]
    wt_logit = wt_logits[batch_indices, mutated_position_idx, wt_token_idx]
    return mutant_logit / wt_logit

if __name__ == "__main__":
    import jax
    _d = setup_inputs()
    print(jax.jit(kernel)(*tuple(_d.values())))

</pallas_src>

<mosaic_0001>
#map = affine_map<(d0, d1) -> (0)>
module attributes {stable_mosaic.version = 14 : i64} {
  func.func @_sc_body(%arg0: i32, %arg1: i32, %arg2: memref<8650752xf32, #tpu.memory_space<hbm>>, %arg3: memref<128xi32, #tpu.memory_space<hbm>>, %arg4: memref<128xi32, #tpu.memory_space<hbm>>, %arg5: memref<128xi32, #tpu.memory_space<hbm>>, %arg6: memref<128xf32, #tpu.memory_space<hbm>>, %arg7: memref<16xi32, #tpu.memory_space<vmem>>, %arg8: memref<16xi32, #tpu.memory_space<vmem>>, %arg9: memref<16xi32, #tpu.memory_space<vmem>>, %arg10: memref<32xi32, #tpu.memory_space<vmem>>, %arg11: memref<32xf32, #tpu.memory_space<vmem>>, %arg12: memref<16xf32, #tpu.memory_space<vmem>>, %arg13: memref<!tpu.dma_semaphore, #tpu.memory_space<semaphore_mem>>) attributes {dimension_semantics = [#tpu.dimension_semantics<core_parallel>, #tpu.dimension_semantics<subcore_parallel>], iteration_bounds = array<i64: 1, 16>, scalar_prefetch = 0 : i64, scratch_operands = 7 : i64, tpu.core_type = #tpu.core_type<sc_vector_subcore>, window_params = [{transform_indices = #map}, {transform_indices = #map}, {transform_indices = #map}, {transform_indices = #map}, {transform_indices = #map}]} {
    %mul3A = arith.constant 1 : i32
    %mul3A_0 = arith.muli %arg1, %mul3A : i32
    %add3A = arith.addi %mul3A_0, %arg0 : i32
    %lt3A = arith.constant 8 : i32
    %lt3A_1 = arith.cmpi slt, %add3A, %lt3A : i32
    %convert_element_type3A = arith.extui %lt3A_1 : i1 to i32
    %cond3A = arith.constant 0 : i32
    %cond3A_2 = arith.cmpi ne, %convert_element_type3A, %cond3A : i32
    scf.if %cond3A_2 {
      %mul3A_3 = arith.constant 16 : i32
      %mul3A_4 = arith.muli %add3A, %mul3A_3 : i32
      %dma_start3A = tpu.memref_slice %arg3[%mul3A_4] : memref<128xi32, #tpu.memory_space<hbm>> -> memref<16xi32, #tpu.memory_space<hbm>>
      %dma_start3A_5 = tpu.memref_slice %arg3[%mul3A_4] : memref<128xi32, #tpu.memory_space<hbm>> -> memref<16xi32, #tpu.memory_space<hbm>>
      tpu.enqueue_dma source(%dma_start3A_5 : memref<16xi32, #tpu.memory_space<hbm>>) target(%arg7 : memref<16xi32, #tpu.memory_space<vmem>>) target_semaphore(%arg13 : memref<!tpu.dma_semaphore, #tpu.memory_space<semaphore_mem>>)
      %dma_start3A_6 = tpu.memref_slice %arg4[%mul3A_4] : memref<128xi32, #tpu.memory_space<hbm>> -> memref<16xi32, #tpu.memory_space<hbm>>
      %dma_start3A_7 = tpu.memref_slice %arg4[%mul3A_4] : memref<128xi32, #tpu.memory_space<hbm>> -> memref<16xi32, #tpu.memory_space<hbm>>
      tpu.enqueue_dma source(%dma_start3A_7 : memref<16xi32, #tpu.memory_space<hbm>>) target(%arg8 : memref<16xi32, #tpu.memory_space<vmem>>) target_semaphore(%arg13 : memref<!tpu.dma_semaphore, #tpu.memory_space<semaphore_mem>>)
      %dma_start3A_8 = tpu.memref_slice %arg5[%mul3A_4] : memref<128xi32, #tpu.memory_space<hbm>> -> memref<16xi32, #tpu.memory_space<hbm>>
      %dma_start3A_9 = tpu.memref_slice %arg5[%mul3A_4] : memref<128xi32, #tpu.memory_space<hbm>> -> memref<16xi32, #tpu.memory_space<hbm>>
      tpu.enqueue_dma source(%dma_start3A_9 : memref<16xi32, #tpu.memory_space<hbm>>) target(%arg9 : memref<16xi32, #tpu.memory_space<vmem>>) target_semaphore(%arg13 : memref<!tpu.dma_semaphore, #tpu.memory_space<semaphore_mem>>)
      %dma_wait3A = tpu.memref_slice %arg3[%mul3A_4] : memref<128xi32, #tpu.memory_space<hbm>> -> memref<16xi32, #tpu.memory_space<hbm>>
      %dma_wait3A_10 = tpu.memref_slice %arg3[%mul3A_4] : memref<128xi32, #tpu.memory_space<hbm>> -> memref<16xi32, #tpu.memory_space<hbm>>
      tpu.wait_dma2 semaphore(%arg13 : memref<!tpu.dma_semaphore, #tpu.memory_space<semaphore_mem>>) src(%dma_wait3A_10 : memref<16xi32, #tpu.memory_space<hbm>>) dst(%arg7 : memref<16xi32, #tpu.memory_space<vmem>>)
      %dma_wait3A_11 = tpu.memref_slice %arg4[%mul3A_4] : memref<128xi32, #tpu.memory_space<hbm>> -> memref<16xi32, #tpu.memory_space<hbm>>
      %dma_wait3A_12 = tpu.memref_slice %arg4[%mul3A_4] : memref<128xi32, #tpu.memory_space<hbm>> -> memref<16xi32, #tpu.memory_space<hbm>>
      tpu.wait_dma2 semaphore(%arg13 : memref<!tpu.dma_semaphore, #tpu.memory_space<semaphore_mem>>) src(%dma_wait3A_12 : memref<16xi32, #tpu.memory_space<hbm>>) dst(%arg8 : memref<16xi32, #tpu.memory_space<vmem>>)
      %dma_wait3A_13 = tpu.memref_slice %arg5[%mul3A_4] : memref<128xi32, #tpu.memory_space<hbm>> -> memref<16xi32, #tpu.memory_space<hbm>>
      %dma_wait3A_14 = tpu.memref_slice %arg5[%mul3A_4] : memref<128xi32, #tpu.memory_space<hbm>> -> memref<16xi32, #tpu.memory_space<hbm>>
      tpu.wait_dma2 semaphore(%arg13 : memref<!tpu.dma_semaphore, #tpu.memory_space<semaphore_mem>>) src(%dma_wait3A_14 : memref<16xi32, #tpu.memory_space<hbm>>) dst(%arg9 : memref<16xi32, #tpu.memory_space<vmem>>)
      %iota3A = tpu.iota {dimensions = array<i32: 0>} : vector<16xi32>
      %add3A_15 = vector.broadcast %mul3A_4 : i32 to vector<16xi32>
      %add3A_16 = arith.addi %add3A_15, %iota3A : vector<16xi32>
      %get3A = arith.constant 0 : index
      %get3A_17 = tpu.vector_load %arg7[%get3A] {strides = array<i32>} : memref<16xi32, #tpu.memory_space<vmem>>, vector<16xi32>,
      %get3A_18 = vector.shape_cast %get3A_17 : vector<16xi32> to vector<16xi32>
      %shift_right_arithmetic3A = arith.constant 3 : i32
      %shift_right_arithmetic3A_19 = vector.broadcast %shift_right_arithmetic3A : i32 to vector<16xi32>
      %shift_right_arithmetic3A_20 = arith.shrsi %add3A_16, %shift_right_arithmetic3A_19 : vector<16xi32>
      %mul3A_21 = arith.constant 16384 : i32
      %mul3A_22 = vector.broadcast %mul3A_21 : i32 to vector<16xi32>
      %mul3A_23 = arith.muli %shift_right_arithmetic3A_20, %mul3A_22 : vector<16xi32>
      %and3A = arith.constant 7 : i32
      %and3A_24 = vector.broadcast %and3A : i32 to vector<16xi32>
      %and3A_25 = arith.andi %add3A_16, %and3A_24 : vector<16xi32>
      %mul3A_26 = arith.constant 128 : i32
      %mul3A_27 = vector.broadcast %mul3A_26 : i32 to vector<16xi32>
      %mul3A_28 = arith.muli %and3A_25, %mul3A_27 : vector<16xi32>
      %add3A_29 = arith.addi %mul3A_23, %mul3A_28 : vector<16xi32>
      %shift_right_arithmetic3A_30 = arith.constant 7 : i32
      %shift_right_arithmetic3A_31 = vector.broadcast %shift_right_arithmetic3A_30 : i32 to vector<16xi32>
      %shift_right_arithmetic3A_32 = arith.shrsi %get3A_18, %shift_right_arithmetic3A_31 : vector<16xi32>
      %mul3A_33 = arith.constant 1024 : i32
      %mul3A_34 = vector.broadcast %mul3A_33 : i32 to vector<16xi32>
      %mul3A_35 = arith.muli %shift_right_arithmetic3A_32, %mul3A_34 : vector<16xi32>
      %add3A_36 = arith.addi %add3A_29, %mul3A_35 : vector<16xi32>
      %and3A_37 = arith.constant 127 : i32
      %and3A_38 = vector.broadcast %and3A_37 : i32 to vector<16xi32>
      %and3A_39 = arith.andi %get3A_18, %and3A_38 : vector<16xi32>
      %add3A_40 = arith.addi %add3A_36, %and3A_39 : vector<16xi32>
      %get3A_41 = arith.constant 0 : index
      %get3A_42 = tpu.vector_load %arg8[%get3A_41] {strides = array<i32>} : memref<16xi32, #tpu.memory_space<vmem>>, vector<16xi32>,
      %get3A_43 = vector.shape_cast %get3A_42 : vector<16xi32> to vector<16xi32>
      %mul3A_44 = arith.constant 262144 : i32
      %mul3A_45 = vector.broadcast %mul3A_44 : i32 to vector<16xi32>
      %mul3A_46 = arith.muli %get3A_43, %mul3A_45 : vector<16xi32>
      %add3A_47 = arith.addi %mul3A_46, %add3A_40 : vector<16xi32>
      %swap3A = arith.constant 0 : index
      %swap3A_48 = tpu.vector_load %arg10[%swap3A] {strides = array<i32>} : memref<32xi32, #tpu.memory_space<vmem>>, vector<16xi32>,
      %swap3A_49 = vector.shape_cast %swap3A_48 : vector<16xi32> to vector<16xi32>
      %swap3A_50 = vector.shape_cast %add3A_47 : vector<16xi32> to vector<16xi32>
      tpu.vector_store %arg10[%swap3A], %swap3A_50 {strides = array<i32>} : memref<32xi32, #tpu.memory_space<vmem>>, vector<16xi32>,
      %get3A_51 = arith.constant 0 : index
      %get3A_52 = tpu.vector_load %arg9[%get3A_51] {strides = array<i32>} : memref<16xi32, #tpu.memory_space<vmem>>, vector<16xi32>,
      %get3A_53 = vector.shape_cast %get3A_52 : vector<16xi32> to vector<16xi32>
      %mul3A_54 = arith.constant 262144 : i32
      %mul3A_55 = vector.broadcast %mul3A_54 : i32 to vector<16xi32>
      %mul3A_56 = arith.muli %get3A_53, %mul3A_55 : vector<16xi32>
      %add3A_57 = arith.addi %mul3A_56, %add3A_40 : vector<16xi32>
      %swap3A_58 = arith.constant 16 : index
      %swap3A_59 = tpu.vector_load %arg10[%swap3A_58] {strides = array<i32>} : memref<32xi32, #tpu.memory_space<vmem>>, vector<16xi32>,
      %swap3A_60 = vector.shape_cast %swap3A_59 : vector<16xi32> to vector<16xi32>
      %swap3A_61 = vector.shape_cast %add3A_57 : vector<16xi32> to vector<16xi32>
      tpu.vector_store %arg10[%swap3A_58], %swap3A_61 {strides = array<i32>} : memref<32xi32, #tpu.memory_space<vmem>>, vector<16xi32>,
      %dma_start3A_62 = arith.constant 0 : i32
      %dma_start3A_63 = tpu.memref_slice %arg2[%dma_start3A_62] : memref<8650752xf32, #tpu.memory_space<hbm>> -> memref<8650752xf32, #tpu.memory_space<hbm>>
      tpu.enqueue_indirect_dma source(%dma_start3A_63 : memref<8650752xf32, #tpu.memory_space<hbm>>) target(%arg11 : memref<32xf32, #tpu.memory_space<vmem>>) offsets(%arg10 : memref<32xi32, #tpu.memory_space<vmem>>) semaphore(%arg13 : memref<!tpu.dma_semaphore, #tpu.memory_space<semaphore_mem>>)
      %dma_wait3A_64 = arith.constant 0 : i32
      %dma_wait3A_65 = tpu.memref_slice %arg2[%dma_wait3A_64] : memref<8650752xf32, #tpu.memory_space<hbm>> -> memref<8650752xf32, #tpu.memory_space<hbm>>
      tpu.wait_indirect_dma semaphore(%arg13 : memref<!tpu.dma_semaphore, #tpu.memory_space<semaphore_mem>>) src(%dma_wait3A_65 : memref<8650752xf32, #tpu.memory_space<hbm>>) dst(%arg11 : memref<32xf32, #tpu.memory_space<vmem>>)
      %get3A_66 = arith.constant 0 : index
      %get3A_67 = tpu.vector_load %arg11[%get3A_66] {strides = array<i32>} : memref<32xf32, #tpu.memory_space<vmem>>, vector<16xf32>,
      %get3A_68 = vector.shape_cast %get3A_67 : vector<16xf32> to vector<16xf32>
      %get3A_69 = arith.constant 16 : index
      %get3A_70 = tpu.vector_load %arg11[%get3A_69] {strides = array<i32>} : memref<32xf32, #tpu.memory_space<vmem>>, vector<16xf32>,
      %get3A_71 = vector.shape_cast %get3A_70 : vector<16xf32> to vector<16xf32>
      %div3A = arith.divf %get3A_68, %get3A_71 : vector<16xf32>
      %swap3A_72 = arith.constant 0 : index
      %swap3A_73 = tpu.vector_load %arg12[%swap3A_72] {strides = array<i32>} : memref<16xf32, #tpu.memory_space<vmem>>, vector<16xf32>,
      %swap3A_74 = vector.shape_cast %swap3A_73 : vector<16xf32> to vector<16xf32>
      %swap3A_75 = vector.shape_cast %div3A : vector<16xf32> to vector<16xf32>
      tpu.vector_store %arg12[%swap3A_72], %swap3A_75 {strides = array<i32>} : memref<16xf32, #tpu.memory_space<vmem>>, vector<16xf32>,
      "tpu.region"() ({
        %run_scoped3A = tpu.sem_alloc : memref<!tpu.dma_semaphore, #tpu.memory_space<semaphore_mem>>
        %dma_start3A_76 = tpu.memref_slice %arg6[%mul3A_4] : memref<128xf32, #tpu.memory_space<hbm>> -> memref<16xf32, #tpu.memory_space<hbm>>
        %dma_start3A_77 = tpu.memref_slice %arg6[%mul3A_4] : memref<128xf32, #tpu.memory_space<hbm>> -> memref<16xf32, #tpu.memory_space<hbm>>
        tpu.enqueue_dma source(%arg12 : memref<16xf32, #tpu.memory_space<vmem>>) target(%dma_start3A_77 : memref<16xf32, #tpu.memory_space<hbm>>) target_semaphore(%run_scoped3A : memref<!tpu.dma_semaphore, #tpu.memory_space<semaphore_mem>>)
        %dma_wait3A_78 = tpu.memref_slice %arg6[%mul3A_4] : memref<128xf32, #tpu.memory_space<hbm>> -> memref<16xf32, #tpu.memory_space<hbm>>
        %dma_wait3A_79 = tpu.memref_slice %arg6[%mul3A_4] : memref<128xf32, #tpu.memory_space<hbm>> -> memref<16xf32, #tpu.memory_space<hbm>>
        tpu.wait_dma2 semaphore(%run_scoped3A : memref<!tpu.dma_semaphore, #tpu.memory_space<semaphore_mem>>) src(%arg12 : memref<16xf32, #tpu.memory_space<vmem>>) dst(%dma_wait3A_79 : memref<16xf32, #tpu.memory_space<hbm>>)
        tpu.yield
      }) : () -> ()
    } else {
    }
    return
  }
}

</mosaic_0001>

<sc_bundles>
// kernel: kernel.3.cloned.1.call-start
scs
__scs_entry_jumppad:
0x0: {  	(pc) =	sbr.rel $0x88, $3  }
0x1: {  	(tag) =	ssettag $0x0;
	lr =	simm.s32 $0x1  }
0x2: {  	[smem:$0x3F9D] =	sst lr;
	_ =	strace $0xD0000000  }
0x3: {  	_ = 	snop  }
0x4: {  	_ = 	snop  }
0x5: {  	_ = 	snop  }
0x6: {  	_ = 	snop  }
0x7: {  	_ = 	snop  }
__scs_overlays_trampoline_lowered:
0x8: {  	[smem:$0x3FAC] =	sst s0  }
0x9: {  	[smem:$0x3FAD] =	sst s1  }
0xa: {  	[smem:$0x3FAE] =	sst s2  }
0xb: {  	[smem:$0x3FAF] =	sst s3  }
0xc: {  	[smem:$0x3FB0] =	sst s4  }
0xd: {  	[smem:$0x3FB1] =	sst s5  }
0xe: {  	[smem:$0x3FB2] =	sst s6  }
0xf: {  	[smem:$0x3FB3] =	sst s7  }
0x10: {  	[smem:$0x3FB4] =	sst s8  }
0x11: {  	[smem:$0x3FB5] =	sst s9;
	s0 =	simm.s32 @!p0 $0x0  }
0x12: {  	s1 =	sld [smem:$0x3F9B];
	s0 =	simm.s32 @p0 $0x1  }
0x13: {  	[smem:$0x3FB6] =	sst s0;
	s0 =	simm.s32 @!p1 $0x0  }
0x14: {  	s2 =	sld [smem:$0x3F9A];
	s0 =	simm.s32 @p1 $0x1  }
0x15: {  	[smem:$0x3FB7] =	sst s0;
	s0 =	simm.s32 @!p2 $0x0  }
0x16: {  	s3 =	sld [smem:$0x3FDB];
	s0 =	simm.s32 @p2 $0x1  }
0x17: {  	s4 =	simm.s32 $0x1BF5;
	[smem:$0x3FB9] =	sst s0  }
0x18: {  	s0 =	sld [smem:$0x3F9C];
	_ =	swait.ge [sflag:s4], $0x0  }
0x19: {  	s7 =	sld [smem:$0x3F9D]  }
0x1a: {  	s8 =	sadd.s32 $0xFFFFE003, lr  }
0x1b: {  	s9 =	sadd.s32 $0xFFFFFEF7, lr;
	s5 =	simm.s32 $0xFFFFFFFF;
	p2 =	slt.u32 s8, $0xFFFFF086  }
0x1c: {  	p1 =	slt.u32 s9, $0xF7A;
	s5 =	simm.s32 @!p2 $0x0  }
0x1d: {  	s5 =	simm.s32 @p1 $0x1;
	p0 =	seq.s32 s7, s2  }
0x1e: {  	s7 =	smul.u32 @!p0 $0xF7A, s2;
	p2 =	seq.s32 @!p0 s5, $0x0  }
0x1f: {  	s9 =	smul.u32 $0xF7A, s1;
	s8 =	simm.s32 @!p0 $0x1BF5;
	p2 =	por !p2, p0  }
0x20: {  	[sflag:s8] =	ssyncset.s32 @!p0 $0xFFFFF086;
	s6 =	sadd.s32 @!p0 s3, s7;
	s7 =	simm.s32 @!p0 $0x108  }
0x21: {  	s3 =	sadd.s32 s3, s9;
	s6 =	sadd.s32 @!p0 $0x88, s6;
	s7 =	simm.s32 @p2 $0x1082  }
0x22: {  	[simem:s7], [sflag:s8] =	dma.local @!p0 [hbm:s6], $0xF7A  }
0x23: {  	s9 =	sor.u32 $0xD0000000, s2;
	s6 =	simm.s32 $0x108;
	_ =	swait.ge @!p0 [sflag:s8], $0x0  }
0x24: {  	s3 =	sadd.s32 $0x88, s3;
	s6 =	simm.s32 @!p1 $0x1082;
	[sflag:s4] =	ssyncset.s32 $0xFFFFF086  }
0x25: {  	[simem:s6], [sflag:s4] =	dma.local [hbm:s3], $0xF7A  }
0x26: {  	[smem:$0x3F9D] =	sst s1;
	(tag) =	ssettag s2;
	_ =	strace s9  }
0x27: {  	s1 =	sld [smem:$0x3FAD]  }
0x28: {  	s2 =	sld [smem:$0x3FAE]  }
0x29: {  	s4 =	sld [smem:$0x3FB0]  }
0x2a: {  	p0 =	seq.s32 s5, $0x0;
	s5 =	sld [smem:$0x3FB1]  }
0x2b: {  	s6 =	sld [smem:$0x3FB2]  }
0x2c: {  	s7 =	sld [smem:$0x3FB3]  }
0x2d: {  	s3 =	simm.s32 $0x108;
	s8 =	sld [smem:$0x3FB4]  }
0x2e: {  	s3 =	simm.s32 @!p0 $0x1082;
	s9 =	sld [smem:$0x3FB5]  }
0x2f: {  	lr =	sadd.s32 s0, s3;
	s0 =	sld [smem:$0x3FAC]  }
0x30: {  	s3 =	sld [smem:$0x3FAF]  }
0x31: {  	[smem:$0x3FB8] =	sst s10  }
0x32: {  	s10 =	sld [smem:$0x3FB6];
	_ =	sdelay $0x3  }
0x33: {  	p0 =	seq.s32 s10, $0x1;
	s10 =	sld [smem:$0x3FB8];
	_ =	sdelay $0x3  }
0x34: {  	[smem:$0x3FB8] =	sst s10  }
0x35: {  	s10 =	sld [smem:$0x3FB7];
	_ =	sdelay $0x3  }
0x36: {  	p1 =	seq.s32 s10, $0x1;
	s10 =	sld [smem:$0x3FB8];
	_ =	sdelay $0x3  }
0x37: {  	[smem:$0x3FB8] =	sst s10  }
0x38: {  	s10 =	sld [smem:$0x3FB9]  }
0x39: {  	_ = 	snop;
	(pc) =	sbr.ind lr, $3  }
0x3a: {  	_ = 	snop  }
0x3b: {  	_ = 	snop  }
0x3c: {  	p2 =	seq.s32 s10, $0x1;
	s10 =	sld [smem:$0x3FB8]  }
0x3d: {  	_ =	shalt  }
0x3e: {  	_ =	shalt  }
0x3f: {  	_ =	shalt  }
0x40: {  	_ =	shalt  }
0x41: {  	_ =	shalt  }
0x42: {  	_ =	shalt  }
0x43: {  	_ =	shalt  }
0x44: {  	_ =	shalt  }
0x45: {  	_ =	shalt  }
0x46: {  	_ =	shalt  }
0x47: {  	_ =	shalt  }
0x48: {  	_ =	shalt  }
0x49: {  	_ =	shalt  }
0x4a: {  	_ =	shalt  }
0x4b: {  	_ =	shalt  }
0x4c: {  	_ =	shalt  }
0x4d: {  	_ =	shalt  }
0x4e: {  	_ =	shalt  }
0x4f: {  	_ =	shalt  }
0x50: {  	_ =	shalt  }
0x51: {  	_ =	shalt  }
0x52: {  	_ =	shalt  }
0x53: {  	_ =	shalt  }
0x54: {  	_ =	shalt  }
0x55: {  	_ =	shalt  }
0x56: {  	_ =	shalt  }
0x57: {  	_ =	shalt  }
0x58: {  	_ =	shalt  }
0x59: {  	_ =	shalt  }
0x5a: {  	_ =	shalt  }
0x5b: {  	_ =	shalt  }
0x5c: {  	_ =	shalt  }
0x5d: {  	_ =	shalt  }
0x5e: {  	_ =	shalt  }
0x5f: {  	_ =	shalt  }
0x60: {  	_ =	shalt  }
0x61: {  	_ =	shalt  }
0x62: {  	_ =	shalt  }
0x63: {  	_ =	shalt  }
0x64: {  	_ =	shalt  }
0x65: {  	_ =	shalt  }
0x66: {  	_ =	shalt  }
0x67: {  	_ =	shalt  }
0x68: {  	_ =	shalt  }
0x69: {  	_ =	shalt  }
0x6a: {  	_ =	shalt  }
0x6b: {  	_ =	shalt  }
0x6c: {  	_ =	shalt  }
0x6d: {  	_ =	shalt  }
0x6e: {  	_ =	shalt  }
0x6f: {  	_ =	shalt  }
0x70: {  	_ =	shalt  }
0x71: {  	_ =	shalt  }
0x72: {  	_ =	shalt  }
0x73: {  	_ =	shalt  }
0x74: {  	_ =	shalt  }
0x75: {  	_ =	shalt  }
0x76: {  	_ =	shalt  }
0x77: {  	_ =	shalt  }
0x78: {  	_ =	shalt  }
0x79: {  	_ =	shalt  }
0x7a: {  	_ =	shalt  }
0x7b: {  	_ =	shalt  }
0x7c: {  	_ =	shalt  }
0x7d: {  	_ =	shalt  }
0x7e: {  	_ =	shalt  }
0x7f: {  	_ =	shalt  }
0x80: {  	_ =	shalt  }
0x81: {  	_ =	shalt  }
0x82: {  	_ =	shalt  }
0x83: {  	_ =	shalt  }
0x84: {  	_ =	shalt  }
0x85: {  	_ =	shalt  }
0x86: {  	_ =	shalt  }
0x87: {  	_ =	shalt  }
.Lfunc_end0:
.L_simem_size_0:
called_computation_lowered:
.L_overlay_start_0:
0x88: {  	s0 =	sld [smem:$0x3FD9]  }
0x89: {  	s1 =	sld [smem:$0x3FFE];
	_ =	sdelay $0x3  }
0x8a: {  	s0 =	sadd.s32 s1, s0  }
0x8b: {  	[smem:$0x3FC4] =	sst s0  }
0x8c: {  	_ = 	snop  }
0x8d: {  	s0 =	sld [smem:$0x3FC9]  }
0x8e: {  	s17 =	sld [smem:$0x3FC8]  }
0x8f: {  	s2 =	sld [smem:$0x3FC7]  }
0x90: {  	s3 =	sld [smem:$0x3FC6]  }
0x91: {  	s4 =	sld [smem:$0x3FD0];
	(tm) =	ssettm $0x1  }
0x92: {  	s5 =	sld [smem:$0x3FFB];
	_ =	sdelay $0x3  }
0x93: {  	_ =	strace s5  }
0x94: {  	s5 =	sld [smem:$0x3FFC];
	_ =	sdelay $0x3  }
0x95: {  	_ =	strace s5  }
0x96: {  	s5 =	sld [smem:$0x3FFD];
	_ =	sdelay $0x3  }
0x97: {  	_ =	strace s5  }
0x98: {  	_ =	strace $0x8FFFFFFF  }
0x99: {  	s18 =	sld [smem:$0x3FDB];
	_ =	sdelay $0x1  }
0x9a: {  	s6 =	simm.s32 $_scs_section_size  }
0x9b: {  	s7 =	simm.s32 $_size__tile_overlayer_lowered;
	s8 =	simm.s32 $_tile_overlayer_lowered  }
0x9c: {  	s21 =	simm.s32 $0x1BFF;
	s20 =	sshll.u32 s8, $0x1;
	s5 =	sadd.s32 s6, s18  }
0x9d: {  	s9 =	simm.s32 $0x0;
	s19 =	sshll.u32 s7, $0x1;
	s7 =	sadd.s32 s20, s5  }
0x9e: {  	[timem:s9], [sflag:s21] =	dma.local [hbm:s7], s19  }
0x9f: {  	_ =	swait.ge [sflag:s21], s19  }
0xa0: {  	s6 =	ssub.s32 $0x0, s19;
	[sflag:s21] =	ssyncset.done $0x0  }
0xa1: {  	[sflag:s21] =	ssyncadd.s32 s6;
	_ =	sdelay $0x1  }
0xa2: {  	s22 =	simm.s32 $0x1B8B  }
0xa3: {  	_ =	swait.ge [sflag:s22], $0x1  }
0xa4: {  	[sflag:s22] =	ssyncset.done $0x0  }
0xa5: {  	s23 =	simm.s32 $0x1B8E;
	[sflag:s22] =	ssyncadd.s32 $0xFFFFFFFF  }
0xa6: {  	s24 =	simm.s32 $execute0_lowered;
	[smem:$0x3FD2] =	sst s23  }
0xa7: {  	s6 =	sshll.u32 s24, $0x1;
	_ =	strace $0x80000046;
	[dreg:$0x1] =	wrdreg $0xFFFFFFFF  }
0xa8: {  	s25 =	simm.s32 $_size_execute0_lowered;
	s5 =	sadd.s32 s5, s6;
	[dreg:$0x0] =	wrdreg $0x0  }
0xa9: {  	s6 =	sshll.u32 s25, $0x1;
	[dreg:$0x2] =	wrdreg s5  }
0xaa: {  	[dreg:$0x3] =	wrdreg s6  }
0xab: {  	[dreg:$0x4] =	wrdreg $0xC0  }
0xac: {  	_ =	task [dreg:s9], $0x5FFFF  }
0xad: {  	[dreg:$0x1] =	wrdreg $0xFFFFFFFF  }
0xae: {  	[dreg:$0x0] =	wrdreg $0x60  }
0xaf: {  	[dreg:$0x2] =	wrdreg s0  }
0xb0: {  	[dreg:$0x3] =	wrdreg s17  }
0xb1: {  	[dreg:$0x4] =	wrdreg s2  }
0xb2: {  	[dreg:$0x5] =	wrdreg s3  }
0xb3: {  	[dreg:$0x6] =	wrdreg s4  }
0xb4: {  	[dreg:$0x7] =	wrdreg $0x9  }
0xb5: {  	_ =	task.clear_ibuf [dreg:s9], $0x8FFFF;
	_ =	strace $0x90000046  }
0xb6: {  	s26 =	simm.s32 $0x9;
	_ =	strace $0x80000048  }
0xb7: {  	_ =	swait.ge [sflag:s26], $0x1  }
0xb8: {  	[sflag:s26] =	ssyncadd.s32 $0xFFFFFFFF  }
0xb9: {  	_ =	strace $0x90000048  }
0xba: {  	_ =	sfence  }
0xbb: {  	s28 =	sld [smem:$0x0];
	_ =	sdelay $0x1  }
0xbc: {  	s29 =	srdreg.scid  }
0xbd: {  	s30 =	sshll.u32 s29, $0xD;
	s31 =	sshrl.u32 s29, $0x2  }
0xbe: {  	s1 =	sand.u32 $0x1, s29;
	s2 =	sand.u32 $0x4000, s30;
	s0 =	sadd.s32 s31, s28  }
0xbf: {  	s1 =	sor.u32 s2, s1;
	s0 =	sshll.u32 s0, $0x11  }
0xc0: {  	s0 =	sor.u32 s0, s1  }
0xc1: {  	s0 =	sadd.s32 $0x8F2B, s0  }
0xc2: {  	[sflag:s0] =	ssyncadd.remote.s32 $0x1  }
0xc3: {  	_ =	sfence.sel $0xFFFF  }
0xc4: {  	[dreg:$0x0] =	wrdreg $0xFFFFFFFF;
	(pc) =	sbr.abs _section_cstart, $3  }
0xc5: {  	[dreg:$0x1] =	wrdreg $0xFFFFFFFF  }
0xc6: {  	_ =	task.clear_ibuf [dreg:s9], $0x2FFFF;
	_ =	strace $0x9FFFFFFF  }
0xc7: {  	(tm) =	ssettm $0x7FFFFFFF  }
tec
execute0_lowered:
.L_overlay_start_1:
0x0: {  	(tag) =	ssettag $0x1  }
0x1: {  	s3 =	rddreg [dreg:$0x0]  }
0x2: {  	s4 =	rddreg [dreg:$0x1]  }
0x3: {  	s5 =	rddreg [dreg:$0x2]  }
0x4: {  	s6 =	rddreg [dreg:$0x3]  }
0x5: {  	s2 =	rddreg [dreg:$0x4];
	s1 =	stileid.u32  }
0x6: {  	s0 =	rddreg [dreg:$0x5];
	s7 =	simm.s32 $0x0;
	p0 =	sgt.u32 s1, $0x7  }
0x7: {  	[smem:$0x7FF] =	sst s7;
	s7 =	sshll.u32 @!p0 s1, $0x1  }
0x8: {  	_ =	strace $0x80000047;
	s8 =	simm.s32 @!p0 $0x0;
	s4 =	sadd.s32 @!p0 s4, s7  }
0x9: {  	[tilespmem:s8], [sflag:$0x1] =	stream.linear.gather @!p0 [hbm4b:s4+s8], $0x10, $0x38;
	[tilespmem:$0x300] =	vst v63  }
0xa: {  	s4 =	sadd.s32 @!p0 s5, s7;
	s5 =	simm.s32 @!p0 $0x80  }
0xb: {  	[tilespmem:s5], [sflag:$0x1] =	stream.linear.gather @!p0 [hbm4b:s4+s8], $0x10, $0x38;
	[tilespmem:$0x300] =	vst v63  }
0xc: {  	s4 =	sadd.s32 @!p0 s6, s7;
	s5 =	simm.s32 @!p0 $0x100  }
0xd: {  	[tilespmem:s5], [sflag:$0x1] =	stream.linear.gather @!p0 [hbm4b:s4+s8], $0x10, $0x38;
	[tilespmem:$0x300] =	vst v63  }
0xe: {  	s4 =	simm.s32 @!p0 $0x1  }
0xf: {  	_ =	swait.ge @!p0 [sflag:s4], $0x10  }
0x10: {  	[sflag:s4] =	ssyncset.done @!p0 $0x0  }
0x11: {  	[sflag:s4] =	ssyncadd.s32 @!p0 $0xFFFFFFF0  }
0x12: {  	_ =	swait.ge @!p0 [sflag:s4], $0x10  }
0x13: {  	[sflag:s4] =	ssyncset.done @!p0 $0x0  }
0x14: {  	[sflag:s4] =	ssyncadd.s32 @!p0 $0xFFFFFFF0  }
0x15: {  	_ =	swait.ge @!p0 [sflag:s4], $0x10  }
0x16: {  	[sflag:s4] =	ssyncset.done @!p0 $0x0  }
0x17: {  	[sflag:s4] =	ssyncadd.s32 @!p0 $0xFFFFFFF0  }
0x18: {  	v0 =	vlaneseq.u32 @!p0;
	s5 =	sshll.u32 @!p0 s1, $0x4;
	v1 =	vld @!p0 [tilespmem:$0x0]  }
0x19: {  	v3 =	vmul.u32 @!p0 $0x800, v0;
	v2 =	vmov @!p0 s5  }
0x1a: {  	v2 =	vshll.u32 @!p0 v2, $0xB  }
0x1b: {  	v2 =	vor.u32 @!p0 v3, v2;
	v3 =	vld @!p0 [tilespmem:$0x80]  }
0x1c: {  	v0 =	vand.u32 @!p0 $0x7, v0;
	v4 =	vld @!p0 [tilespmem:$0x100]  }
0x1d: {  	v2 =	vand.u32 @!p0 $0x3C000, v2;
	v5 =	vand.u32 @!p0 $0x7F, v1;
	v1 =	vshll.u32 @!p0 v1, $0x3  }
0x1e: {  	v0 =	vmul.u32 @!p0 $0x80, v0;
	v2 =	vor.u32 @!p0 v5, v2;
	v1 =	vand.u32 @!p0 $0xFFFFFC00, v1  }
0x1f: {  	v1 =	vadd.s32 @!p0 v2, v1  }
0x20: {  	v0 =	vor.u32 @!p0 v0, v1;
	v1 =	vshll.u32 @!p0 v3, $0x12  }
0x21: {  	v2 =	vshll.u32 @!p0 v4, $0x12;
	v1 =	vadd.s32 @!p0 v1, v0  }
0x22: {  	v0 =	vadd.s32 @!p0 v0, v2;
	[tilespmem:$0x180] =	vst @!p0 v1  }
0x23: {  	s9 =	simm.s32 @!p0 $0x200;
	s6 =	simm.s32 @!p0 $0x180;
	s5 =	simm.s32 @!p0 $0x20;
	[tilespmem:$0x190] =	vst @!p0 v0  }
0x24: {  	[tilespmem:s9], [sflag:$0x1] =	stream.indirect.gather @!p0 [hbm4b:s3+s5], $0x1, s6, s5, $0xb8;
	[tilespmem:$0x300] =	vst v63  }
0x25: {  	_ =	swait.ge @!p0 [sflag:s4], $0x20  }
0x26: {  	[sflag:s4] =	ssyncset.done @!p0 $0x0  }
0x27: {  	[sflag:s4] =	ssyncadd.s32 @!p0 $0xFFFFFFE0  }
0x28: {  	v0 =	vld @!p0 [tilespmem:$0x210];
	_ =	sdelay $0x4  }
0x29: {  	(erf) = vrcp.f32 @!p0 v0;
	_ =	sdelay $0x4  }
0x2a: {  	v0 =	vld @!p0 [tilespmem:$0x200];
	_ =	sdelay $0x3  }
0x2b: {  	v1 =	vpop @!p0 (erf)  }
0x2c: {  	v0 =	vmul.f32 @!p0 v1, v0;
	_ =	sdelay $0x1  }
0x2d: {  	s2 =	sadd.s32 @!p0 s2, s7;
	s3 =	simm.s32 @!p0 $0x280;
	[tilespmem:$0x280] =	vst @!p0 v0  }
0x2e: {  	[hbm4b:s2+s8] =	stream.linear.scatter @!p0 [tilespmem:s3], [sflag:$0x2], $0x10, $0x38;
	[tilespmem:$0x300] =	vst v63  }
0x2f: {  	s2 =	simm.s32 @!p0 $0x2  }
0x30: {  	_ =	swait.ge @!p0 [sflag:s2], $0x10  }
0x31: {  	[sflag:s2] =	ssyncset.done @!p0 $0x0  }
0x32: {  	[sflag:s2] =	ssyncadd.s32 @!p0 $0xFFFFFFF0  }
0x33: {  	_ =	sfence.sel $0x180000  }
0x34: {  	[bflag:$0x0] =	sbarrier.arrive $0xFFFF  }
0x35: {  	p0 =	sne.s32 s1, $0x0;
	_ =	strace $0x90000047  }
0x36: {  	s0 =	sadd.s32 @!p0 $0x100000, s0;
	[bflag:$0x2] =	sbarrier.arrive $0xFFFF  }
0x37: {  	[sflag:s0] =	ssyncadd.tile.s32 @!p0 $0x1;
	_ =	shalt  }
.Lfunc_end2:
_tile_overlayer_lowered:
.L_overlay_start_2:
0x38: {  	(tag) =	ssettag $0x2  }
0x39: {  	s0 =	rddreg [dreg:$0x0];
	s2 =	stileid.u32  }
0x3a: {  	s1 =	rddreg [dreg:$0x1];
	p0 =	sne.s32 s2, $0x0  }
0x3b: {  	s3 =	rddreg [dreg:$0x2];
	[bflag:$0x3] =	sbarrier.arrive $0xFFFF;
	s2 =	simm.s32 @!p0 $0x1C02  }
0x3c: {  	[timem:s3], [sflag:s2] =	dma.local @!p0 [hbm:s0], s1  }
0x3d: {  	s0 =	simm.s32 @!p0 $0x2  }
0x3e: {  	_ =	swait.ge @!p0 [sflag:s0], s1  }
0x3f: {  	s1 =	ssub.s32 @!p0 $0x0, s1;
	[sflag:s0] =	ssyncset.done @!p0 $0x0  }
0x40: {  	[sflag:s0] =	ssyncadd.s32 @!p0 s1  }
0x41: {  	[bflag:$0x3] =	sbarrier.arrive $0xFFFF  }
0x42: {  	_ =	shalt  }

</sc_bundles>
